<compile_context>
chip_gen: v7x
topology: tpu7x:2x2x1
jax: 0.10.2.dev20260603
libtpu: 0.0.44.dev20260713+nightly
codegen_flags: <defaults>
</compile_context>

<pallas_src>
import functools

import jax
import jax.numpy as jnp
from jax import lax
from jax.experimental import pallas as pl
from jax.experimental.pallas import tpu as pltpu
from jax.experimental.pallas import tpu_sc as plsc

NC, NS = 2, 16
NW = NC * NS
LANES = 16
HALF = 100
BLKS = 8


def _make_pool_kernel(B, S, V, D):
    assert D == 2 * LANES
    assert S == 2 * HALF
    assert B % NW == 0
    rw = B // NW
    rpb = rw // BLKS
    assert rpb % 2 == 0
    inv = 1.0 / S

    mesh = plsc.VectorSubcoreMesh(core_axis_name="c", subcore_axis_name="s")

    @functools.partial(
        pl.kernel,
        out_type=jax.ShapeDtypeStruct((B, D), jnp.float32),
        mesh=mesh,
        compiler_params=pltpu.CompilerParams(use_tc_tiling_on_sc=False),
        scratch_types=[
            pltpu.VMEM((2 * rpb, HALF), jnp.int32),
            pltpu.VMEM((2, 2, HALF, D), jnp.float32),
            pltpu.VMEM((rpb, D), jnp.float32),
            pltpu.SemaphoreType.DMA,
            pltpu.SemaphoreType.DMA,
            pltpu.SemaphoreType.DMA,
            pltpu.SemaphoreType.DMA,
        ],
    )
    def pool(idx_hbm, table_hbm, out_hbm, idx_v, rows_v, out_v,
             sem00, sem01, sem10, sem11):
        wid = lax.axis_index("s") * NC + lax.axis_index("c")
        sems = ((sem00, sem01), (sem10, sem11))

        def start_row(j, p):
            pltpu.async_copy(table_hbm.at[idx_v.at[2 * j]],
                             rows_v.at[p, 0], sems[p][0])
            pltpu.async_copy(table_hbm.at[idx_v.at[2 * j + 1]],
                             rows_v.at[p, 1], sems[p][1])

        def wait_pair(p):
            pltpu.make_async_copy(table_hbm.at[idx_v.at[0]],
                                  rows_v.at[p, 0], sems[p][0]).wait()
            pltpu.make_async_copy(table_hbm.at[idx_v.at[1]],
                                  rows_v.at[p, 1], sems[p][1]).wait()

        def reduce_pair(p, r):
            z = jnp.zeros((LANES,), jnp.float32)

            def body(i, accs):
                a0, a1, b0, b1 = accs
                a0 = a0 + rows_v[p, 0, i, pl.ds(0, LANES)]
                a1 = a1 + rows_v[p, 0, i, pl.ds(LANES, LANES)]
                b0 = b0 + rows_v[p, 1, i, pl.ds(0, LANES)]
                b1 = b1 + rows_v[p, 1, i, pl.ds(LANES, LANES)]
                return a0, a1, b0, b1

            a0, a1, b0, b1 = lax.fori_loop(0, HALF, body, (z, z, z, z))
            out_v[r, pl.ds(0, LANES)] = (a0 + b0) * inv
            out_v[r, pl.ds(LANES, LANES)] = (a1 + b1) * inv

        def blk_body(blk, _):
            pltpu.sync_copy(idx_hbm.at[wid, pl.ds(blk * 2 * rpb, 2 * rpb)],
                            idx_v)
            start_row(0, 0)

            def rp_body(rp, _):
                r = 2 * rp
                start_row(r + 1, 1)
                wait_pair(0)
                reduce_pair(0, r)

                @pl.when(rp < rpb // 2 - 1)
                def _():
                    start_row(r + 2, 0)

                wait_pair(1)
                reduce_pair(1, r + 1)
                return 0

            lax.fori_loop(0, rpb // 2, rp_body, 0)
            pltpu.sync_copy(out_v,
                            out_hbm.at[pl.ds(wid * rw + blk * rpb, rpb)])
            return 0

        lax.fori_loop(0, BLKS, blk_body, 0)

    return pool


def _matmul_bias(pooled, W, b):
    B, D = pooled.shape
    L = W.shape[0]
    BB = 2048

    def mm_body(x_ref, w_ref, b_ref, o_ref):
        o_ref[...] = (
            jnp.dot(x_ref[...], w_ref[...].T,
                    preferred_element_type=jnp.float32)
            + b_ref[...]
        )

    return pl.pallas_call(
        mm_body,
        out_shape=jax.ShapeDtypeStruct((B, L), jnp.float32),
        grid=(B // BB,),
        in_specs=[
            pl.BlockSpec((BB, D), lambda i: (i, 0)),
            pl.BlockSpec((L, D), lambda i: (0, 0)),
            pl.BlockSpec((1, L), lambda i: (0, 0)),
        ],
        out_specs=pl.BlockSpec((BB, L), lambda i: (i, 0)),
    )(pooled, W, b.reshape(1, L))


@jax.jit
def kernel(inputs, emb_table, W, b):
    B, S = inputs.shape
    V, D = emb_table.shape
    idx3 = inputs.astype(jnp.int32).reshape(NW, (B // NW) * 2, HALF)
    pooled = _make_pool_kernel(B, S, V, D)(idx3, emb_table)
    return _matmul_bias(pooled, W, b)

# --- scband reference (transcript-rebuilt; emitter-appended) ---
"""Pipeline reference for scband-fasttext-model-7619271983163 (READ-ONLY COPY).

The authoritative reference and input builder live on the scoring server;
editing this copy changes nothing except your own understanding.
"""

import jax, jax.numpy as jnp
import numpy as np

VOCAB = 1000000
DIM = 32
LABELS = 128
BATCH = 16384
SEQ = 200

def setup_inputs(seed: int = 0) -> dict:
    key = jax.random.key(seed)
    k1, k2, k3, k4 = jax.random.split(key, 4)
    inputs = jax.random.randint(k1, (BATCH, SEQ), 0, VOCAB, dtype=jnp.int64 if jax.config.jax_enable_x64 else jnp.int32)
    emb_table = jax.random.normal(k2, (VOCAB, DIM), dtype=jnp.float32) * 0.02
    W = jax.random.normal(k3, (LABELS, DIM), dtype=jnp.float32) * 0.02
    b = jnp.zeros((LABELS,), dtype=jnp.float32)
    return {"inputs": inputs, "emb_table": emb_table, "W": W, "b": b}

def reference(inputs, emb_table, W, b):
    # Embedding lookup: gather rows of the table
    m = jnp.take(emb_table, inputs, axis=0)  # [B, S, dim]
    # Mean pool over the sequence dimension
    m = jnp.mean(m, axis=1)  # [B, dim]
    # Dense layer: x @ W^T + b (torch.nn.Linear convention)
    logits = m @ W.T + b  # [B, label_num]
    return logits

if __name__ == "__main__":
    import jax
    _d = setup_inputs()
    print(jax.jit(kernel)(*tuple(_d.values())))

</pallas_src>

<mosaic_0001>
#map = affine_map<(d0, d1) -> (0, 0, 0)>
#map1 = affine_map<(d0, d1) -> (0, 0)>
module attributes {stable_mosaic.version = 14 : i64} {
  func.func @pool(%arg0: i32, %arg1: i32, %arg2: memref<32x1024x100xi32, #tpu.memory_space<hbm>>, %arg3: memref<1000000x32xf32, #tpu.memory_space<hbm>>, %arg4: memref<16384x32xf32, #tpu.memory_space<hbm>>, %arg5: memref<128x100xi32, #tpu.memory_space<vmem>>, %arg6: memref<2x2x100x32xf32, #tpu.memory_space<vmem>>, %arg7: memref<64x32xf32, #tpu.memory_space<vmem>>, %arg8: memref<!tpu.dma_semaphore, #tpu.memory_space<semaphore_mem>>, %arg9: memref<!tpu.dma_semaphore, #tpu.memory_space<semaphore_mem>>, %arg10: memref<!tpu.dma_semaphore, #tpu.memory_space<semaphore_mem>>, %arg11: memref<!tpu.dma_semaphore, #tpu.memory_space<semaphore_mem>>) attributes {dimension_semantics = [#tpu.dimension_semantics<core_parallel>, #tpu.dimension_semantics<subcore_parallel>], iteration_bounds = array<i64: 2, 16>, scalar_prefetch = 0 : i64, scratch_operands = 7 : i64, tpu.core_type = #tpu.core_type<sc_vector_subcore>, window_params = [{transform_indices = #map}, {transform_indices = #map1}, {transform_indices = #map1}]} {
    %mul3A = arith.constant 2 : i32
    %mul3A_0 = arith.muli %arg1, %mul3A : i32
    %add3A = arith.addi %mul3A_0, %arg0 : i32
    %scan3A = arith.constant 0 : i32
    %scan3A_1 = arith.constant 0 : i32
    %scan3A_2 = arith.constant 8 : i32
    %scan3A_3 = arith.addi %scan3A_1, %scan3A_2 : i32
    %scan3A_4 = arith.constant 1 : i32
    %scan3A_5 = scf.for %scan3A_7 = %scan3A_1 to %scan3A_3 step %scan3A_4 iter_args(%scan3A_8 = %scan3A) -> (i32)  : i32 {
      %mul3A_9 = arith.constant 2 : i32
      %mul3A_10 = arith.muli %scan3A_7, %mul3A_9 : i32
      %mul3A_11 = arith.constant 64 : i32
      %mul3A_12 = arith.muli %mul3A_10, %mul3A_11 : i32
      "tpu.region"() ({
        %run_scoped3A = tpu.sem_alloc : memref<!tpu.dma_semaphore, #tpu.memory_space<semaphore_mem>>
        %dma_start3A_51 = arith.constant 0 : i32
        %dma_start3A_52 = tpu.memref_slice %arg2[%add3A, %mul3A_12, %dma_start3A_51] : memref<32x1024x100xi32, #tpu.memory_space<hbm>> -> memref<1x128x100xi32, #tpu.memory_space<hbm>>
        %dma_start3A_53 = tpu.memref_squeeze %dma_start3A_52 : memref<1x128x100xi32, #tpu.memory_space<hbm>> -> memref<128x100xi32, #tpu.memory_space<hbm>>
        %dma_start3A_54 = arith.constant 0 : i32
        %dma_start3A_55 = tpu.memref_slice %arg2[%add3A, %mul3A_12, %dma_start3A_54] : memref<32x1024x100xi32, #tpu.memory_space<hbm>> -> memref<1x128x100xi32, #tpu.memory_space<hbm>>
        %dma_start3A_56 = tpu.memref_squeeze %dma_start3A_55 : memref<1x128x100xi32, #tpu.memory_space<hbm>> -> memref<128x100xi32, #tpu.memory_space<hbm>>
        tpu.enqueue_dma source(%dma_start3A_56 : memref<128x100xi32, #tpu.memory_space<hbm>>) target(%arg5 : memref<128x100xi32, #tpu.memory_space<vmem>>) target_semaphore(%run_scoped3A : memref<!tpu.dma_semaphore, #tpu.memory_space<semaphore_mem>>)
        %dma_wait3A = arith.constant 0 : i32
        %dma_wait3A_57 = tpu.memref_slice %arg2[%add3A, %mul3A_12, %dma_wait3A] : memref<32x1024x100xi32, #tpu.memory_space<hbm>> -> memref<1x128x100xi32, #tpu.memory_space<hbm>>
        %dma_wait3A_58 = tpu.memref_squeeze %dma_wait3A_57 : memref<1x128x100xi32, #tpu.memory_space<hbm>> -> memref<128x100xi32, #tpu.memory_space<hbm>>
        %dma_wait3A_59 = arith.constant 0 : i32
        %dma_wait3A_60 = tpu.memref_slice %arg2[%add3A, %mul3A_12, %dma_wait3A_59] : memref<32x1024x100xi32, #tpu.memory_space<hbm>> -> memref<1x128x100xi32, #tpu.memory_space<hbm>>
        %dma_wait3A_61 = tpu.memref_squeeze %dma_wait3A_60 : memref<1x128x100xi32, #tpu.memory_space<hbm>> -> memref<128x100xi32, #tpu.memory_space<hbm>>
        tpu.wait_dma2 semaphore(%run_scoped3A : memref<!tpu.dma_semaphore, #tpu.memory_space<semaphore_mem>>) src(%dma_wait3A_61 : memref<128x100xi32, #tpu.memory_space<hbm>>) dst(%arg5 : memref<128x100xi32, #tpu.memory_space<vmem>>)
        tpu.yield
      }) : () -> ()
      %dma_start3A = arith.constant 0 : i32
      %dma_start3A_13 = arith.constant 0 : i32
      %dma_start3A_14 = arith.constant 0 : i32
      %dma_start3A_15 = arith.constant 0 : i32
      %dma_start3A_16 = arith.constant 0 : i32
      %dma_start3A_17 = tpu.memref_slice %arg6[%dma_start3A_13, %dma_start3A_14, %dma_start3A_15, %dma_start3A_16] : memref<2x2x100x32xf32, #tpu.memory_space<vmem>> -> memref<1x1x100x32xf32, #tpu.memory_space<vmem>>
      %dma_start3A_18 = tpu.memref_squeeze %dma_start3A_17 : memref<1x1x100x32xf32, #tpu.memory_space<vmem>> -> memref<100x32xf32, #tpu.memory_space<vmem>>
      %dma_start3A_19 = arith.constant 0 : i32
      %dma_start3A_20 = tpu.memref_slice %arg5[%dma_start3A, %dma_start3A_19] : memref<128x100xi32, #tpu.memory_space<vmem>> -> memref<1x100xi32, #tpu.memory_space<vmem>>
      %dma_start3A_21 = tpu.memref_squeeze %dma_start3A_20 : memref<1x100xi32, #tpu.memory_space<vmem>> -> memref<100xi32, #tpu.memory_space<vmem>>
      %dma_start3A_22 = arith.constant 0 : i32
      %dma_start3A_23 = arith.constant 0 : i32
      %dma_start3A_24 = tpu.memref_slice %arg3[%dma_start3A_22, %dma_start3A_23] : memref<1000000x32xf32, #tpu.memory_space<hbm>> -> memref<1000000x32xf32, #tpu.memory_space<hbm>>
      tpu.enqueue_indirect_dma source(%dma_start3A_24 : memref<1000000x32xf32, #tpu.memory_space<hbm>>) target(%dma_start3A_18 : memref<100x32xf32, #tpu.memory_space<vmem>>) offsets(%dma_start3A_21 : memref<100xi32, #tpu.memory_space<vmem>>) semaphore(%arg8 : memref<!tpu.dma_semaphore, #tpu.memory_space<semaphore_mem>>)
      %dma_start3A_25 = arith.constant 1 : i32
      %dma_start3A_26 = arith.constant 0 : i32
      %dma_start3A_27 = arith.constant 1 : i32
      %dma_start3A_28 = arith.constant 0 : i32
      %dma_start3A_29 = arith.constant 0 : i32
      %dma_start3A_30 = tpu.memref_slice %arg6[%dma_start3A_26, %dma_start3A_27, %dma_start3A_28, %dma_start3A_29] : memref<2x2x100x32xf32, #tpu.memory_space<vmem>> -> memref<1x1x100x32xf32, #tpu.memory_space<vmem>>
      %dma_start3A_31 = tpu.memref_squeeze %dma_start3A_30 : memref<1x1x100x32xf32, #tpu.memory_space<vmem>> -> memref<100x32xf32, #tpu.memory_space<vmem>>
      %dma_start3A_32 = arith.constant 0 : i32
      %dma_start3A_33 = tpu.memref_slice %arg5[%dma_start3A_25, %dma_start3A_32] : memref<128x100xi32, #tpu.memory_space<vmem>> -> memref<1x100xi32, #tpu.memory_space<vmem>>
      %dma_start3A_34 = tpu.memref_squeeze %dma_start3A_33 : memref<1x100xi32, #tpu.memory_space<vmem>> -> memref<100xi32, #tpu.memory_space<vmem>>
      %dma_start3A_35 = arith.constant 0 : i32
      %dma_start3A_36 = arith.constant 0 : i32
      %dma_start3A_37 = tpu.memref_slice %arg3[%dma_start3A_35, %dma_start3A_36] : memref<1000000x32xf32, #tpu.memory_space<hbm>> -> memref<1000000x32xf32, #tpu.memory_space<hbm>>
      tpu.enqueue_indirect_dma source(%dma_start3A_37 : memref<1000000x32xf32, #tpu.memory_space<hbm>>) target(%dma_start3A_31 : memref<100x32xf32, #tpu.memory_space<vmem>>) offsets(%dma_start3A_34 : memref<100xi32, #tpu.memory_space<vmem>>) semaphore(%arg9 : memref<!tpu.dma_semaphore, #tpu.memory_space<semaphore_mem>>)
      %scan3A_38 = arith.constant 0 : i32
      %scan3A_39 = arith.constant 0 : i32
      %scan3A_40 = arith.constant 32 : i32
      %scan3A_41 = arith.addi %scan3A_39, %scan3A_40 : i32
      %scan3A_42 = arith.constant 1 : i32
      %scan3A_43 = scf.for %scan3A_51 = %scan3A_39 to %scan3A_41 step %scan3A_42 iter_args(%scan3A_52 = %scan3A_38) -> (i32)  : i32 {
        %mul3A_53 = arith.constant 2 : i32
        %mul3A_54 = arith.muli %mul3A_53, %scan3A_51 : i32
        %add3A_55 = arith.constant 1 : i32
        %add3A_56 = arith.addi %mul3A_54, %add3A_55 : i32
        %mul3A_57 = arith.constant 2 : i32
        %mul3A_58 = arith.muli %mul3A_57, %add3A_56 : i32
        %dma_start3A_59 = arith.constant 1 : i32
        %dma_start3A_60 = arith.constant 0 : i32
        %dma_start3A_61 = arith.constant 0 : i32
        %dma_start3A_62 = arith.constant 0 : i32
        %dma_start3A_63 = tpu.memref_slice %arg6[%dma_start3A_59, %dma_start3A_60, %dma_start3A_61, %dma_start3A_62] : memref<2x2x100x32xf32, #tpu.memory_space<vmem>> -> memref<1x1x100x32xf32, #tpu.memory_space<vmem>>
        %dma_start3A_64 = tpu.memref_squeeze %dma_start3A_63 : memref<1x1x100x32xf32, #tpu.memory_space<vmem>> -> memref<100x32xf32, #tpu.memory_space<vmem>>
        %dma_start3A_65 = arith.constant 0 : i32
        %dma_start3A_66 = tpu.memref_slice %arg5[%mul3A_58, %dma_start3A_65] : memref<128x100xi32, #tpu.memory_space<vmem>> -> memref<1x100xi32, #tpu.memory_space<vmem>>
        %dma_start3A_67 = tpu.memref_squeeze %dma_start3A_66 : memref<1x100xi32, #tpu.memory_space<vmem>> -> memref<100xi32, #tpu.memory_space<vmem>>
        %dma_start3A_68 = arith.constant 0 : i32
        %dma_start3A_69 = arith.constant 0 : i32
        %dma_start3A_70 = tpu.memref_slice %arg3[%dma_start3A_68, %dma_start3A_69] : memref<1000000x32xf32, #tpu.memory_space<hbm>> -> memref<1000000x32xf32, #tpu.memory_space<hbm>>
        tpu.enqueue_indirect_dma source(%dma_start3A_70 : memref<1000000x32xf32, #tpu.memory_space<hbm>>) target(%dma_start3A_64 : memref<100x32xf32, #tpu.memory_space<vmem>>) offsets(%dma_start3A_67 : memref<100xi32, #tpu.memory_space<vmem>>) semaphore(%arg10 : memref<!tpu.dma_semaphore, #tpu.memory_space<semaphore_mem>>)
        %mul3A_71 = arith.constant 2 : i32
        %mul3A_72 = arith.muli %mul3A_71, %add3A_56 : i32
        %add3A_73 = arith.constant 1 : i32
        %add3A_74 = arith.addi %mul3A_72, %add3A_73 : i32
        %dma_start3A_75 = arith.constant 1 : i32
        %dma_start3A_76 = arith.constant 1 : i32
        %dma_start3A_77 = arith.constant 0 : i32
        %dma_start3A_78 = arith.constant 0 : i32
        %dma_start3A_79 = tpu.memref_slice %arg6[%dma_start3A_75, %dma_start3A_76, %dma_start3A_77, %dma_start3A_78] : memref<2x2x100x32xf32, #tpu.memory_space<vmem>> -> memref<1x1x100x32xf32, #tpu.memory_space<vmem>>
        %dma_start3A_80 = tpu.memref_squeeze %dma_start3A_79 : memref<1x1x100x32xf32, #tpu.memory_space<vmem>> -> memref<100x32xf32, #tpu.memory_space<vmem>>
        %dma_start3A_81 = arith.constant 0 : i32
        %dma_start3A_82 = tpu.memref_slice %arg5[%add3A_74, %dma_start3A_81] : memref<128x100xi32, #tpu.memory_space<vmem>> -> memref<1x100xi32, #tpu.memory_space<vmem>>
        %dma_start3A_83 = tpu.memref_squeeze %dma_start3A_82 : memref<1x100xi32, #tpu.memory_space<vmem>> -> memref<100xi32, #tpu.memory_space<vmem>>
        %dma_start3A_84 = arith.constant 0 : i32
        %dma_start3A_85 = arith.constant 0 : i32
        %dma_start3A_86 = tpu.memref_slice %arg3[%dma_start3A_84, %dma_start3A_85] : memref<1000000x32xf32, #tpu.memory_space<hbm>> -> memref<1000000x32xf32, #tpu.memory_space<hbm>>
        tpu.enqueue_indirect_dma source(%dma_start3A_86 : memref<1000000x32xf32, #tpu.memory_space<hbm>>) target(%dma_start3A_80 : memref<100x32xf32, #tpu.memory_space<vmem>>) offsets(%dma_start3A_83 : memref<100xi32, #tpu.memory_space<vmem>>) semaphore(%arg11 : memref<!tpu.dma_semaphore, #tpu.memory_space<semaphore_mem>>)
        %dma_wait3A = arith.constant 0 : i32
        %dma_wait3A_87 = arith.constant 0 : i32
        %dma_wait3A_88 = arith.constant 0 : i32
        %dma_wait3A_89 = arith.constant 0 : i32
        %dma_wait3A_90 = arith.constant 0 : i32
        %dma_wait3A_91 = tpu.memref_slice %arg6[%dma_wait3A_87, %dma_wait3A_88, %dma_wait3A_89, %dma_wait3A_90] : memref<2x2x100x32xf32, #tpu.memory_space<vmem>> -> memref<1x1x100x32xf32, #tpu.memory_space<vmem>>
        %dma_wait3A_92 = tpu.memref_squeeze %dma_wait3A_91 : memref<1x1x100x32xf32, #tpu.memory_space<vmem>> -> memref<100x32xf32, #tpu.memory_space<vmem>>
        %dma_wait3A_93 = arith.constant 0 : i32
        %dma_wait3A_94 = tpu.memref_slice %arg5[%dma_wait3A, %dma_wait3A_93] : memref<128x100xi32, #tpu.memory_space<vmem>> -> memref<1x100xi32, #tpu.memory_space<vmem>>
        %dma_wait3A_95 = tpu.memref_squeeze %dma_wait3A_94 : memref<1x100xi32, #tpu.memory_space<vmem>> -> memref<100xi32, #tpu.memory_space<vmem>>
        %dma_wait3A_96 = arith.constant 0 : i32
        %dma_wait3A_97 = arith.constant 0 : i32
        %dma_wait3A_98 = tpu.memref_slice %arg3[%dma_wait3A_96, %dma_wait3A_97] : memref<1000000x32xf32, #tpu.memory_space<hbm>> -> memref<1000000x32xf32, #tpu.memory_space<hbm>>
        tpu.wait_indirect_dma semaphore(%arg8 : memref<!tpu.dma_semaphore, #tpu.memory_space<semaphore_mem>>) src(%dma_wait3A_98 : memref<1000000x32xf32, #tpu.memory_space<hbm>>) dst(%dma_wait3A_92 : memref<100x32xf32, #tpu.memory_space<vmem>>)
        %dma_wait3A_99 = arith.constant 1 : i32
        %dma_wait3A_100 = arith.constant 0 : i32
        %dma_wait3A_101 = arith.constant 1 : i32
        %dma_wait3A_102 = arith.constant 0 : i32
        %dma_wait3A_103 = arith.constant 0 : i32
        %dma_wait3A_104 = tpu.memref_slice %arg6[%dma_wait3A_100, %dma_wait3A_101, %dma_wait3A_102, %dma_wait3A_103] : memref<2x2x100x32xf32, #tpu.memory_space<vmem>> -> memref<1x1x100x32xf32, #tpu.memory_space<vmem>>
        %dma_wait3A_105 = tpu.memref_squeeze %dma_wait3A_104 : memref<1x1x100x32xf32, #tpu.memory_space<vmem>> -> memref<100x32xf32, #tpu.memory_space<vmem>>
        %dma_wait3A_106 = arith.constant 0 : i32
        %dma_wait3A_107 = tpu.memref_slice %arg5[%dma_wait3A_99, %dma_wait3A_106] : memref<128x100xi32, #tpu.memory_space<vmem>> -> memref<1x100xi32, #tpu.memory_space<vmem>>
        %dma_wait3A_108 = tpu.memref_squeeze %dma_wait3A_107 : memref<1x100xi32, #tpu.memory_space<vmem>> -> memref<100xi32, #tpu.memory_space<vmem>>
        %dma_wait3A_109 = arith.constant 0 : i32
        %dma_wait3A_110 = arith.constant 0 : i32
        %dma_wait3A_111 = tpu.memref_slice %arg3[%dma_wait3A_109, %dma_wait3A_110] : memref<1000000x32xf32, #tpu.memory_space<hbm>> -> memref<1000000x32xf32, #tpu.memory_space<hbm>>
        tpu.wait_indirect_dma semaphore(%arg9 : memref<!tpu.dma_semaphore, #tpu.memory_space<semaphore_mem>>) src(%dma_wait3A_111 : memref<1000000x32xf32, #tpu.memory_space<hbm>>) dst(%dma_wait3A_105 : memref<100x32xf32, #tpu.memory_space<vmem>>)
        %broadcast_in_dim3A = arith.constant 0.000000e+00 : f32
        %broadcast_in_dim3A_112 = vector.broadcast %broadcast_in_dim3A : f32 to vector<16xf32>
        %scan3A_113 = arith.constant 0 : i32
        %scan3A_114 = arith.constant 100 : i32
        %scan3A_115 = arith.addi %scan3A_113, %scan3A_114 : i32
        %scan3A_116 = arith.constant 1 : i32
        %scan3A_117:4 = scf.for %scan3A_193 = %scan3A_113 to %scan3A_115 step %scan3A_116 iter_args(%scan3A_194 = %broadcast_in_dim3A_112, %scan3A_195 = %broadcast_in_dim3A_112, %scan3A_196 = %broadcast_in_dim3A_112, %scan3A_197 = %broadcast_in_dim3A_112) -> (vector<16xf32>, vector<16xf32>, vector<16xf32>, vector<16xf32>)  : i32 {
          %get3A = arith.constant 0 : i32
          %get3A_198 = arith.constant 0 : i32
          %get3A_199 = arith.index_cast %get3A : i32 to index
          %get3A_200 = arith.index_cast %get3A_198 : i32 to index
          %get3A_201 = arith.index_cast %scan3A_193 : i32 to index
          %get3A_202 = arith.constant 0 : index
          %get3A_203 = tpu.vector_load %arg6[%get3A_199, %get3A_200, %get3A_201, %get3A_202] {strides = array<i32>} : memref<2x2x100x32xf32, #tpu.memory_space<vmem>>, vector<1x1x1x16xf32>,
          %get3A_204 = vector.shape_cast %get3A_203 : vector<1x1x1x16xf32> to vector<16xf32>
          %add3A_205 = arith.addf %scan3A_194, %get3A_204 : vector<16xf32>
          %get3A_206 = arith.constant 0 : i32
          %get3A_207 = arith.constant 0 : i32
          %get3A_208 = arith.index_cast %get3A_206 : i32 to index
          %get3A_209 = arith.index_cast %get3A_207 : i32 to index
          %get3A_210 = arith.index_cast %scan3A_193 : i32 to index
          %get3A_211 = arith.constant 16 : index
          %get3A_212 = tpu.vector_load %arg6[%get3A_208, %get3A_209, %get3A_210, %get3A_211] {strides = array<i32>} : memref<2x2x100x32xf32, #tpu.memory_space<vmem>>, vector<1x1x1x16xf32>,
          %get3A_213 = vector.shape_cast %get3A_212 : vector<1x1x1x16xf32> to vector<16xf32>
          %add3A_214 = arith.addf %scan3A_195, %get3A_213 : vector<16xf32>
          %get3A_215 = arith.constant 0 : i32
          %get3A_216 = arith.constant 1 : i32
          %get3A_217 = arith.index_cast %get3A_215 : i32 to index
          %get3A_218 = arith.index_cast %get3A_216 : i32 to index
          %get3A_219 = arith.index_cast %scan3A_193 : i32 to index
          %get3A_220 = arith.constant 0 : index
          %get3A_221 = tpu.vector_load %arg6[%get3A_217, %get3A_218, %get3A_219, %get3A_220] {strides = array<i32>} : memref<2x2x100x32xf32, #tpu.memory_space<vmem>>, vector<1x1x1x16xf32>,
          %get3A_222 = vector.shape_cast %get3A_221 : vector<1x1x1x16xf32> to vector<16xf32>
          %add3A_223 = arith.addf %scan3A_196, %get3A_222 : vector<16xf32>
          %get3A_224 = arith.constant 0 : i32
          %get3A_225 = arith.constant 1 : i32
          %get3A_226 = arith.index_cast %get3A_224 : i32 to index
          %get3A_227 = arith.index_cast %get3A_225 : i32 to index
          %get3A_228 = arith.index_cast %scan3A_193 : i32 to index
          %get3A_229 = arith.constant 16 : index
          %get3A_230 = tpu.vector_load %arg6[%get3A_226, %get3A_227, %get3A_228, %get3A_229] {strides = array<i32>} : memref<2x2x100x32xf32, #tpu.memory_space<vmem>>, vector<1x1x1x16xf32>,
          %get3A_231 = vector.shape_cast %get3A_230 : vector<1x1x1x16xf32> to vector<16xf32>
          %add3A_232 = arith.addf %scan3A_197, %get3A_231 : vector<16xf32>
          scf.yield %add3A_205, %add3A_214, %add3A_223, %add3A_232 : vector<16xf32>, vector<16xf32>, vector<16xf32>, vector<16xf32>
        }
        %scan3A_118 = arith.constant 100 : i32
        %add3A_119 = arith.addf %scan3A_117#0, %scan3A_117#2 : vector<16xf32>
        %mul3A_120 = arith.constant 5.000000e-03 : f32
        %mul3A_121 = vector.broadcast %mul3A_120 : f32 to vector<16xf32>
        %mul3A_122 = arith.mulf %add3A_119, %mul3A_121 : vector<16xf32>
        %swap3A = arith.index_cast %mul3A_54 : i32 to index
        %swap3A_123 = arith.constant 0 : index
        %swap3A_124 = tpu.vector_load %arg7[%swap3A, %swap3A_123] {strides = array<i32>} : memref<64x32xf32, #tpu.memory_space<vmem>>, vector<1x16xf32>,
        %swap3A_125 = vector.shape_cast %swap3A_124 : vector<1x16xf32> to vector<16xf32>
        %swap3A_126 = vector.shape_cast %mul3A_122 : vector<16xf32> to vector<1x16xf32>
        tpu.vector_store %arg7[%swap3A, %swap3A_123], %swap3A_126 {strides = array<i32>} : memref<64x32xf32, #tpu.memory_space<vmem>>, vector<1x16xf32>,
        %add3A_127 = arith.addf %scan3A_117#1, %scan3A_117#3 : vector<16xf32>
        %mul3A_128 = arith.constant 5.000000e-03 : f32
        %mul3A_129 = vector.broadcast %mul3A_128 : f32 to vector<16xf32>
        %mul3A_130 = arith.mulf %add3A_127, %mul3A_129 : vector<16xf32>
        %swap3A_131 = arith.index_cast %mul3A_54 : i32 to index
        %swap3A_132 = arith.constant 16 : index
        %swap3A_133 = tpu.vector_load %arg7[%swap3A_131, %swap3A_132] {strides = array<i32>} : memref<64x32xf32, #tpu.memory_space<vmem>>, vector<1x16xf32>,
        %swap3A_134 = vector.shape_cast %swap3A_133 : vector<1x16xf32> to vector<16xf32>
        %swap3A_135 = vector.shape_cast %mul3A_130 : vector<16xf32> to vector<1x16xf32>
        tpu.vector_store %arg7[%swap3A_131, %swap3A_132], %swap3A_135 {strides = array<i32>} : memref<64x32xf32, #tpu.memory_space<vmem>>, vector<1x16xf32>,
        %lt3A = arith.constant 31 : i32
        %lt3A_136 = arith.cmpi slt, %scan3A_51, %lt3A : i32
        %convert_element_type3A = arith.extui %lt3A_136 : i1 to i32
        %cond3A = arith.constant 0 : i32
        %cond3A_137 = arith.cmpi ne, %convert_element_type3A, %cond3A : i32
        scf.if %cond3A_137 {
          %add3A_193 = arith.constant 2 : i32
          %add3A_194 = arith.addi %mul3A_54, %add3A_193 : i32
          %mul3A_195 = arith.constant 2 : i32
          %mul3A_196 = arith.muli %mul3A_195, %add3A_194 : i32
          %dma_start3A_197 = arith.constant 0 : i32
          %dma_start3A_198 = arith.constant 0 : i32
          %dma_start3A_199 = arith.constant 0 : i32
          %dma_start3A_200 = arith.constant 0 : i32
          %dma_start3A_201 = tpu.memref_slice %arg6[%dma_start3A_197, %dma_start3A_198, %dma_start3A_199, %dma_start3A_200] : memref<2x2x100x32xf32, #tpu.memory_space<vmem>> -> memref<1x1x100x32xf32, #tpu.memory_space<vmem>>
          %dma_start3A_202 = tpu.memref_squeeze %dma_start3A_201 : memref<1x1x100x32xf32, #tpu.memory_space<vmem>> -> memref<100x32xf32, #tpu.memory_space<vmem>>
          %dma_start3A_203 = arith.constant 0 : i32
          %dma_start3A_204 = tpu.memref_slice %arg5[%mul3A_196, %dma_start3A_203] : memref<128x100xi32, #tpu.memory_space<vmem>> -> memref<1x100xi32, #tpu.memory_space<vmem>>
          %dma_start3A_205 = tpu.memref_squeeze %dma_start3A_204 : memref<1x100xi32, #tpu.memory_space<vmem>> -> memref<100xi32, #tpu.memory_space<vmem>>
          %dma_start3A_206 = arith.constant 0 : i32
          %dma_start3A_207 = arith.constant 0 : i32
          %dma_start3A_208 = tpu.memref_slice %arg3[%dma_start3A_206, %dma_start3A_207] : memref<1000000x32xf32, #tpu.memory_space<hbm>> -> memref<1000000x32xf32, #tpu.memory_space<hbm>>
          tpu.enqueue_indirect_dma source(%dma_start3A_208 : memref<1000000x32xf32, #tpu.memory_space<hbm>>) target(%dma_start3A_202 : memref<100x32xf32, #tpu.memory_space<vmem>>) offsets(%dma_start3A_205 : memref<100xi32, #tpu.memory_space<vmem>>) semaphore(%arg8 : memref<!tpu.dma_semaphore, #tpu.memory_space<semaphore_mem>>)
          %mul3A_209 = arith.constant 2 : i32
          %mul3A_210 = arith.muli %mul3A_209, %add3A_194 : i32
          %add3A_211 = arith.constant 1 : i32
          %add3A_212 = arith.addi %mul3A_210, %add3A_211 : i32
          %dma_start3A_213 = arith.constant 0 : i32
          %dma_start3A_214 = arith.constant 1 : i32
          %dma_start3A_215 = arith.constant 0 : i32
          %dma_start3A_216 = arith.constant 0 : i32
          %dma_start3A_217 = tpu.memref_slice %arg6[%dma_start3A_213, %dma_start3A_214, %dma_start3A_215, %dma_start3A_216] : memref<2x2x100x32xf32, #tpu.memory_space<vmem>> -> memref<1x1x100x32xf32, #tpu.memory_space<vmem>>
          %dma_start3A_218 = tpu.memref_squeeze %dma_start3A_217 : memref<1x1x100x32xf32, #tpu.memory_space<vmem>> -> memref<100x32xf32, #tpu.memory_space<vmem>>
          %dma_start3A_219 = arith.constant 0 : i32
          %dma_start3A_220 = tpu.memref_slice %arg5[%add3A_212, %dma_start3A_219] : memref<128x100xi32, #tpu.memory_space<vmem>> -> memref<1x100xi32, #tpu.memory_space<vmem>>
          %dma_start3A_221 = tpu.memref_squeeze %dma_start3A_220 : memref<1x100xi32, #tpu.memory_space<vmem>> -> memref<100xi32, #tpu.memory_space<vmem>>
          %dma_start3A_222 = arith.constant 0 : i32
          %dma_start3A_223 = arith.constant 0 : i32
          %dma_start3A_224 = tpu.memref_slice %arg3[%dma_start3A_222, %dma_start3A_223] : memref<1000000x32xf32, #tpu.memory_space<hbm>> -> memref<1000000x32xf32, #tpu.memory_space<hbm>>
          tpu.enqueue_indirect_dma source(%dma_start3A_224 : memref<1000000x32xf32, #tpu.memory_space<hbm>>) target(%dma_start3A_218 : memref<100x32xf32, #tpu.memory_space<vmem>>) offsets(%dma_start3A_221 : memref<100xi32, #tpu.memory_space<vmem>>) semaphore(%arg9 : memref<!tpu.dma_semaphore, #tpu.memory_space<semaphore_mem>>)
        } else {
        }
        %dma_wait3A_138 = arith.constant 0 : i32
        %dma_wait3A_139 = arith.constant 1 : i32
        %dma_wait3A_140 = arith.constant 0 : i32
        %dma_wait3A_141 = arith.constant 0 : i32
        %dma_wait3A_142 = arith.constant 0 : i32
        %dma_wait3A_143 = tpu.memref_slice %arg6[%dma_wait3A_139, %dma_wait3A_140, %dma_wait3A_141, %dma_wait3A_142] : memref<2x2x100x32xf32, #tpu.memory_space<vmem>> -> memref<1x1x100x32xf32, #tpu.memory_space<vmem>>
        %dma_wait3A_144 = tpu.memref_squeeze %dma_wait3A_143 : memref<1x1x100x32xf32, #tpu.memory_space<vmem>> -> memref<100x32xf32, #tpu.memory_space<vmem>>
        %dma_wait3A_145 = arith.constant 0 : i32
        %dma_wait3A_146 = tpu.memref_slice %arg5[%dma_wait3A_138, %dma_wait3A_145] : memref<128x100xi32, #tpu.memory_space<vmem>> -> memref<1x100xi32, #tpu.memory_space<vmem>>
        %dma_wait3A_147 = tpu.memref_squeeze %dma_wait3A_146 : memref<1x100xi32, #tpu.memory_space<vmem>> -> memref<100xi32, #tpu.memory_space<vmem>>
        %dma_wait3A_148 = arith.constant 0 : i32
        %dma_wait3A_149 = arith.constant 0 : i32
        %dma_wait3A_150 = tpu.memref_slice %arg3[%dma_wait3A_148, %dma_wait3A_149] : memref<1000000x32xf32, #tpu.memory_space<hbm>> -> memref<1000000x32xf32, #tpu.memory_space<hbm>>
        tpu.wait_indirect_dma semaphore(%arg10 : memref<!tpu.dma_semaphore, #tpu.memory_space<semaphore_mem>>) src(%dma_wait3A_150 : memref<1000000x32xf32, #tpu.memory_space<hbm>>) dst(%dma_wait3A_144 : memref<100x32xf32, #tpu.memory_space<vmem>>)
        %dma_wait3A_151 = arith.constant 1 : i32
        %dma_wait3A_152 = arith.constant 1 : i32
        %dma_wait3A_153 = arith.constant 1 : i32
        %dma_wait3A_154 = arith.constant 0 : i32
        %dma_wait3A_155 = arith.constant 0 : i32
        %dma_wait3A_156 = tpu.memref_slice %arg6[%dma_wait3A_152, %dma_wait3A_153, %dma_wait3A_154, %dma_wait3A_155] : memref<2x2x100x32xf32, #tpu.memory_space<vmem>> -> memref<1x1x100x32xf32, #tpu.memory_space<vmem>>
        %dma_wait3A_157 = tpu.memref_squeeze %dma_wait3A_156 : memref<1x1x100x32xf32, #tpu.memory_space<vmem>> -> memref<100x32xf32, #tpu.memory_space<vmem>>
        %dma_wait3A_158 = arith.constant 0 : i32
        %dma_wait3A_159 = tpu.memref_slice %arg5[%dma_wait3A_151, %dma_wait3A_158] : memref<128x100xi32, #tpu.memory_space<vmem>> -> memref<1x100xi32, #tpu.memory_space<vmem>>
        %dma_wait3A_160 = tpu.memref_squeeze %dma_wait3A_159 : memref<1x100xi32, #tpu.memory_space<vmem>> -> memref<100xi32, #tpu.memory_space<vmem>>
        %dma_wait3A_161 = arith.constant 0 : i32
        %dma_wait3A_162 = arith.constant 0 : i32
        %dma_wait3A_163 = tpu.memref_slice %arg3[%dma_wait3A_161, %dma_wait3A_162] : memref<1000000x32xf32, #tpu.memory_space<hbm>> -> memref<1000000x32xf32, #tpu.memory_space<hbm>>
        tpu.wait_indirect_dma semaphore(%arg11 : memref<!tpu.dma_semaphore, #tpu.memory_space<semaphore_mem>>) src(%dma_wait3A_163 : memref<1000000x32xf32, #tpu.memory_space<hbm>>) dst(%dma_wait3A_157 : memref<100x32xf32, #tpu.memory_space<vmem>>)
        %add3A_164 = arith.constant 1 : i32
        %add3A_165 = arith.addi %mul3A_54, %add3A_164 : i32
        %broadcast_in_dim3A_166 = arith.constant 0.000000e+00 : f32
        %broadcast_in_dim3A_167 = vector.broadcast %broadcast_in_dim3A_166 : f32 to vector<16xf32>
        %scan3A_168 = arith.constant 0 : i32
        %scan3A_169 = arith.constant 100 : i32
        %scan3A_170 = arith.addi %scan3A_168, %scan3A_169 : i32
        %scan3A_171 = arith.constant 1 : i32
        %scan3A_172:4 = scf.for %scan3A_193 = %scan3A_168 to %scan3A_170 step %scan3A_171 iter_args(%scan3A_194 = %broadcast_in_dim3A_167, %scan3A_195 = %broadcast_in_dim3A_167, %scan3A_196 = %broadcast_in_dim3A_167, %scan3A_197 = %broadcast_in_dim3A_167) -> (vector<16xf32>, vector<16xf32>, vector<16xf32>, vector<16xf32>)  : i32 {
          %get3A = arith.constant 1 : i32
          %get3A_198 = arith.constant 0 : i32
          %get3A_199 = arith.index_cast %get3A : i32 to index
          %get3A_200 = arith.index_cast %get3A_198 : i32 to index
          %get3A_201 = arith.index_cast %scan3A_193 : i32 to index
          %get3A_202 = arith.constant 0 : index
          %get3A_203 = tpu.vector_load %arg6[%get3A_199, %get3A_200, %get3A_201, %get3A_202] {strides = array<i32>} : memref<2x2x100x32xf32, #tpu.memory_space<vmem>>, vector<1x1x1x16xf32>,
          %get3A_204 = vector.shape_cast %get3A_203 : vector<1x1x1x16xf32> to vector<16xf32>
          %add3A_205 = arith.addf %scan3A_194, %get3A_204 : vector<16xf32>
          %get3A_206 = arith.constant 1 : i32
          %get3A_207 = arith.constant 0 : i32
          %get3A_208 = arith.index_cast %get3A_206 : i32 to index
          %get3A_209 = arith.index_cast %get3A_207 : i32 to index
          %get3A_210 = arith.index_cast %scan3A_193 : i32 to index
          %get3A_211 = arith.constant 16 : index
          %get3A_212 = tpu.vector_load %arg6[%get3A_208, %get3A_209, %get3A_210, %get3A_211] {strides = array<i32>} : memref<2x2x100x32xf32, #tpu.memory_space<vmem>>, vector<1x1x1x16xf32>,
          %get3A_213 = vector.shape_cast %get3A_212 : vector<1x1x1x16xf32> to vector<16xf32>
          %add3A_214 = arith.addf %scan3A_195, %get3A_213 : vector<16xf32>
          %get3A_215 = arith.constant 1 : i32
          %get3A_216 = arith.constant 1 : i32
          %get3A_217 = arith.index_cast %get3A_215 : i32 to index
          %get3A_218 = arith.index_cast %get3A_216 : i32 to index
          %get3A_219 = arith.index_cast %scan3A_193 : i32 to index
          %get3A_220 = arith.constant 0 : index
          %get3A_221 = tpu.vector_load %arg6[%get3A_217, %get3A_218, %get3A_219, %get3A_220] {strides = array<i32>} : memref<2x2x100x32xf32, #tpu.memory_space<vmem>>, vector<1x1x1x16xf32>,
          %get3A_222 = vector.shape_cast %get3A_221 : vector<1x1x1x16xf32> to vector<16xf32>
          %add3A_223 = arith.addf %scan3A_196, %get3A_222 : vector<16xf32>
          %get3A_224 = arith.constant 1 : i32
          %get3A_225 = arith.constant 1 : i32
          %get3A_226 = arith.index_cast %get3A_224 : i32 to index
          %get3A_227 = arith.index_cast %get3A_225 : i32 to index
          %get3A_228 = arith.index_cast %scan3A_193 : i32 to index
          %get3A_229 = arith.constant 16 : index
          %get3A_230 = tpu.vector_load %arg6[%get3A_226, %get3A_227, %get3A_228, %get3A_229] {strides = array<i32>} : memref<2x2x100x32xf32, #tpu.memory_space<vmem>>, vector<1x1x1x16xf32>,
          %get3A_231 = vector.shape_cast %get3A_230 : vector<1x1x1x16xf32> to vector<16xf32>
          %add3A_232 = arith.addf %scan3A_197, %get3A_231 : vector<16xf32>
          scf.yield %add3A_205, %add3A_214, %add3A_223, %add3A_232 : vector<16xf32>, vector<16xf32>, vector<16xf32>, vector<16xf32>
        }
        %scan3A_173 = arith.constant 100 : i32
        %add3A_174 = arith.addf %scan3A_172#0, %scan3A_172#2 : vector<16xf32>
        %mul3A_175 = arith.constant 5.000000e-03 : f32
        %mul3A_176 = vector.broadcast %mul3A_175 : f32 to vector<16xf32>
        %mul3A_177 = arith.mulf %add3A_174, %mul3A_176 : vector<16xf32>
        %swap3A_178 = arith.index_cast %add3A_165 : i32 to index
        %swap3A_179 = arith.constant 0 : index
        %swap3A_180 = tpu.vector_load %arg7[%swap3A_178, %swap3A_179] {strides = array<i32>} : memref<64x32xf32, #tpu.memory_space<vmem>>, vector<1x16xf32>,
        %swap3A_181 = vector.shape_cast %swap3A_180 : vector<1x16xf32> to vector<16xf32>
        %swap3A_182 = vector.shape_cast %mul3A_177 : vector<16xf32> to vector<1x16xf32>
        tpu.vector_store %arg7[%swap3A_178, %swap3A_179], %swap3A_182 {strides = array<i32>} : memref<64x32xf32, #tpu.memory_space<vmem>>, vector<1x16xf32>,
        %add3A_183 = arith.addf %scan3A_172#1, %scan3A_172#3 : vector<16xf32>
        %mul3A_184 = arith.constant 5.000000e-03 : f32
        %mul3A_185 = vector.broadcast %mul3A_184 : f32 to vector<16xf32>
        %mul3A_186 = arith.mulf %add3A_183, %mul3A_185 : vector<16xf32>
        %swap3A_187 = arith.index_cast %add3A_165 : i32 to index
        %swap3A_188 = arith.constant 16 : index
        %swap3A_189 = tpu.vector_load %arg7[%swap3A_187, %swap3A_188] {strides = array<i32>} : memref<64x32xf32, #tpu.memory_space<vmem>>, vector<1x16xf32>,
        %swap3A_190 = vector.shape_cast %swap3A_189 : vector<1x16xf32> to vector<16xf32>
        %swap3A_191 = vector.shape_cast %mul3A_186 : vector<16xf32> to vector<1x16xf32>
        tpu.vector_store %arg7[%swap3A_187, %swap3A_188], %swap3A_191 {strides = array<i32>} : memref<64x32xf32, #tpu.memory_space<vmem>>, vector<1x16xf32>,
        %scan3A_192 = arith.constant 0 : i32
        scf.yield %scan3A_192 : i32
      }
      %scan3A_44 = arith.constant 32 : i32
      %mul3A_45 = arith.constant 512 : i32
      %mul3A_46 = arith.muli %add3A, %mul3A_45 : i32
      %mul3A_47 = arith.constant 64 : i32
      %mul3A_48 = arith.muli %scan3A_7, %mul3A_47 : i32
      %add3A_49 = arith.addi %mul3A_46, %mul3A_48 : i32
      "tpu.region"() ({
        %run_scoped3A = tpu.sem_alloc : memref<!tpu.dma_semaphore, #tpu.memory_space<semaphore_mem>>
        %dma_start3A_51 = arith.constant 0 : i32
        %dma_start3A_52 = tpu.memref_slice %arg4[%add3A_49, %dma_start3A_51] : memref<16384x32xf32, #tpu.memory_space<hbm>> -> memref<64x32xf32, #tpu.memory_space<hbm>>
        %dma_start3A_53 = arith.constant 0 : i32
        %dma_start3A_54 = tpu.memref_slice %arg4[%add3A_49, %dma_start3A_53] : memref<16384x32xf32, #tpu.memory_space<hbm>> -> memref<64x32xf32, #tpu.memory_space<hbm>>
        tpu.enqueue_dma source(%arg7 : memref<64x32xf32, #tpu.memory_space<vmem>>) target(%dma_start3A_54 : memref<64x32xf32, #tpu.memory_space<hbm>>) target_semaphore(%run_scoped3A : memref<!tpu.dma_semaphore, #tpu.memory_space<semaphore_mem>>)
        %dma_wait3A = arith.constant 0 : i32
        %dma_wait3A_55 = tpu.memref_slice %arg4[%add3A_49, %dma_wait3A] : memref<16384x32xf32, #tpu.memory_space<hbm>> -> memref<64x32xf32, #tpu.memory_space<hbm>>
        %dma_wait3A_56 = arith.constant 0 : i32
        %dma_wait3A_57 = tpu.memref_slice %arg4[%add3A_49, %dma_wait3A_56] : memref<16384x32xf32, #tpu.memory_space<hbm>> -> memref<64x32xf32, #tpu.memory_space<hbm>>
        tpu.wait_dma2 semaphore(%run_scoped3A : memref<!tpu.dma_semaphore, #tpu.memory_space<semaphore_mem>>) src(%arg7 : memref<64x32xf32, #tpu.memory_space<vmem>>) dst(%dma_wait3A_57 : memref<64x32xf32, #tpu.memory_space<hbm>>)
        tpu.yield
      }) : () -> ()
      %scan3A_50 = arith.constant 0 : i32
      scf.yield %scan3A_50 : i32
    }
    %scan3A_6 = arith.constant 8 : i32
    return
  }
}

module attributes {stable_mosaic.version = 14 : i64} {
  func.func @mm_body(%arg0: i32, %arg1: memref<2048x32xf32, #tpu.memory_space<vmem>>, %arg2: memref<128x32xf32, #tpu.memory_space<vmem>>, %arg3: memref<1x128xf32, #tpu.memory_space<vmem>>, %arg4: memref<2048x128xf32, #tpu.memory_space<vmem>>) attributes {dimension_semantics = [#tpu.dimension_semantics<arbitrary>], iteration_bounds = array<i64: 8>, scalar_prefetch = 0 : i64, scratch_operands = 0 : i64, tpu.core_type = #tpu.core_type<tc>, window_params = [{transform_indices = @transform_0, window_bounds = array<i64: 2048, 32>}, {pipeline_mode = #tpu.pipeline_mode<synchronous>, transform_indices = @transform_1, window_bounds = array<i64: 128, 32>}, {pipeline_mode = #tpu.pipeline_mode<synchronous>, transform_indices = @transform_2, window_bounds = array<i64: 1, 128>}, {transform_indices = @transform_3, window_bounds = array<i64: 2048, 128>}]} {
    %get3A = arith.constant 0 : index
    %get3A_0 = arith.constant 0 : index
    %get3A_1 = vector.load %arg1[%get3A, %get3A_0] : memref<2048x32xf32, #tpu.memory_space<vmem>>, vector<2048x32xf32>
    %get3A_2 = arith.constant 0 : index
    %get3A_3 = arith.constant 0 : index
    %get3A_4 = vector.load %arg2[%get3A_2, %get3A_3] : memref<128x32xf32, #tpu.memory_space<vmem>>, vector<128x32xf32>
    %transpose3A = tpu.transpose %get3A_4, [1, 0] : vector<128x32xf32> -> vector<32x128xf32>
    %dot_general3A = arith.constant dense<0.000000e+00> : vector<2048x128xf32>
    %dot_general3A_5 = tpu.matmul %get3A_1, %transpose3A, %dot_general3A {dimension_numbers = #tpu.dot_dimension_numbers<[1], [0], [0], [1], [0, 0, 1, 1], [], []>, transpose_lhs_hint = false} : vector<2048x32xf32>, vector<32x128xf32>, vector<2048x128xf32> -> vector<2048x128xf32>
    %get3A_6 = arith.constant 0 : index
    %get3A_7 = arith.constant 0 : index
    %get3A_8 = vector.load %arg3[%get3A_6, %get3A_7] : memref<1x128xf32, #tpu.memory_space<vmem>>, vector<1x128xf32>
    %add3A = vector.broadcast %get3A_8 : vector<1x128xf32> to vector<2048x128xf32>
    %add3A_9 = arith.addf %dot_general3A_5, %add3A : vector<2048x128xf32>
    %swap3A = arith.constant 0 : index
    %swap3A_10 = arith.constant 0 : index
    %swap3A_11 = vector.load %arg4[%swap3A, %swap3A_10] : memref<2048x128xf32, #tpu.memory_space<vmem>>, vector<2048x128xf32>
    tpu.vector_store %arg4[%swap3A, %swap3A_10], %add3A_9 {strides = array<i32>} : memref<2048x128xf32, #tpu.memory_space<vmem>>, vector<2048x128xf32>,
    return
  }
  func.func @transform_0(%arg0: i32) -> (i32, i32) {
    %c0_i32 = arith.constant 0 : i32
    %c0_i32_0 = arith.constant 0 : i32
    return %arg0, %c0_i32 : i32, i32
  }
  func.func @transform_1(%arg0: i32) -> (i32, i32) {
    %c0_i32 = arith.constant 0 : i32
    %c0_i32_0 = arith.constant 0 : i32
    %c0_i32_1 = arith.constant 0 : i32
    return %c0_i32, %c0_i32_0 : i32, i32
  }
  func.func @transform_2(%arg0: i32) -> (i32, i32) {
    %c0_i32 = arith.constant 0 : i32
    %c0_i32_0 = arith.constant 0 : i32
    %c0_i32_1 = arith.constant 0 : i32
    return %c0_i32, %c0_i32_0 : i32, i32
  }
  func.func @transform_3(%arg0: i32) -> (i32, i32) {
    %c0_i32 = arith.constant 0 : i32
    %c0_i32_0 = arith.constant 0 : i32
    return %arg0, %c0_i32 : i32, i32
  }
}

</mosaic_0001>

<sc_bundles>
// kernel: kernel.4.cloned.1.call-start
scs
__scs_entry_jumppad:
0x0: {  	(pc) =	sbr.rel $0x88, $3  }
0x1: {  	(tag) =	ssettag $0x0;
	lr =	simm.s32 $0x1  }
0x2: {  	[smem:$0x3F9D] =	sst lr;
	_ =	strace $0xD0000000  }
0x3: {  	_ = 	snop  }
0x4: {  	_ = 	snop  }
0x5: {  	_ = 	snop  }
0x6: {  	_ = 	snop  }
0x7: {  	_ = 	snop  }
__scs_overlays_trampoline_lowered:
0x8: {  	[smem:$0x3FAC] =	sst s0  }
0x9: {  	[smem:$0x3FAD] =	sst s1  }
0xa: {  	[smem:$0x3FAE] =	sst s2  }
0xb: {  	[smem:$0x3FAF] =	sst s3  }
0xc: {  	[smem:$0x3FB0] =	sst s4  }
0xd: {  	[smem:$0x3FB1] =	sst s5  }
0xe: {  	[smem:$0x3FB2] =	sst s6  }
0xf: {  	[smem:$0x3FB3] =	sst s7  }
0x10: {  	[smem:$0x3FB4] =	sst s8  }
0x11: {  	[smem:$0x3FB5] =	sst s9;
	s0 =	simm.s32 @!p0 $0x0  }
0x12: {  	s1 =	sld [smem:$0x3F9B];
	s0 =	simm.s32 @p0 $0x1  }
0x13: {  	[smem:$0x3FB6] =	sst s0;
	s0 =	simm.s32 @!p1 $0x0  }
0x14: {  	s2 =	sld [smem:$0x3F9A];
	s0 =	simm.s32 @p1 $0x1  }
0x15: {  	[smem:$0x3FB7] =	sst s0;
	s0 =	simm.s32 @!p2 $0x0  }
0x16: {  	s3 =	sld [smem:$0x3FDB];
	s0 =	simm.s32 @p2 $0x1  }
0x17: {  	s4 =	simm.s32 $0x1BF5;
	[smem:$0x3FB9] =	sst s0  }
0x18: {  	s0 =	sld [smem:$0x3F9C];
	_ =	swait.ge [sflag:s4], $0x0  }
0x19: {  	s7 =	sld [smem:$0x3F9D]  }
0x1a: {  	s8 =	sadd.s32 $0xFFFFE003, lr  }
0x1b: {  	s9 =	sadd.s32 $0xFFFFFEF7, lr;
	s5 =	simm.s32 $0xFFFFFFFF;
	p2 =	slt.u32 s8, $0xFFFFF086  }
0x1c: {  	p1 =	slt.u32 s9, $0xF7A;
	s5 =	simm.s32 @!p2 $0x0  }
0x1d: {  	s5 =	simm.s32 @p1 $0x1;
	p0 =	seq.s32 s7, s2  }
0x1e: {  	s7 =	smul.u32 @!p0 $0xF7A, s2;
	p2 =	seq.s32 @!p0 s5, $0x0  }
0x1f: {  	s9 =	smul.u32 $0xF7A, s1;
	s8 =	simm.s32 @!p0 $0x1BF5;
	p2 =	por !p2, p0  }
0x20: {  	[sflag:s8] =	ssyncset.s32 @!p0 $0xFFFFF086;
	s6 =	sadd.s32 @!p0 s3, s7;
	s7 =	simm.s32 @!p0 $0x108  }
0x21: {  	s3 =	sadd.s32 s3, s9;
	s6 =	sadd.s32 @!p0 $0x88, s6;
	s7 =	simm.s32 @p2 $0x1082  }
0x22: {  	[simem:s7], [sflag:s8] =	dma.local @!p0 [hbm:s6], $0xF7A  }
0x23: {  	s9 =	sor.u32 $0xD0000000, s2;
	s6 =	simm.s32 $0x108;
	_ =	swait.ge @!p0 [sflag:s8], $0x0  }
0x24: {  	s3 =	sadd.s32 $0x88, s3;
	s6 =	simm.s32 @!p1 $0x1082;
	[sflag:s4] =	ssyncset.s32 $0xFFFFF086  }
0x25: {  	[simem:s6], [sflag:s4] =	dma.local [hbm:s3], $0xF7A  }
0x26: {  	[smem:$0x3F9D] =	sst s1;
	(tag) =	ssettag s2;
	_ =	strace s9  }
0x27: {  	s1 =	sld [smem:$0x3FAD]  }
0x28: {  	s2 =	sld [smem:$0x3FAE]  }
0x29: {  	s4 =	sld [smem:$0x3FB0]  }
0x2a: {  	p0 =	seq.s32 s5, $0x0;
	s5 =	sld [smem:$0x3FB1]  }
0x2b: {  	s6 =	sld [smem:$0x3FB2]  }
0x2c: {  	s7 =	sld [smem:$0x3FB3]  }
0x2d: {  	s3 =	simm.s32 $0x108;
	s8 =	sld [smem:$0x3FB4]  }
0x2e: {  	s3 =	simm.s32 @!p0 $0x1082;
	s9 =	sld [smem:$0x3FB5]  }
0x2f: {  	lr =	sadd.s32 s0, s3;
	s0 =	sld [smem:$0x3FAC]  }
0x30: {  	s3 =	sld [smem:$0x3FAF]  }
0x31: {  	[smem:$0x3FB8] =	sst s10  }
0x32: {  	s10 =	sld [smem:$0x3FB6];
	_ =	sdelay $0x3  }
0x33: {  	p0 =	seq.s32 s10, $0x1;
	s10 =	sld [smem:$0x3FB8];
	_ =	sdelay $0x3  }
0x34: {  	[smem:$0x3FB8] =	sst s10  }
0x35: {  	s10 =	sld [smem:$0x3FB7];
	_ =	sdelay $0x3  }
0x36: {  	p1 =	seq.s32 s10, $0x1;
	s10 =	sld [smem:$0x3FB8];
	_ =	sdelay $0x3  }
0x37: {  	[smem:$0x3FB8] =	sst s10  }
0x38: {  	s10 =	sld [smem:$0x3FB9]  }
0x39: {  	_ = 	snop;
	(pc) =	sbr.ind lr, $3  }
0x3a: {  	_ = 	snop  }
0x3b: {  	_ = 	snop  }
0x3c: {  	p2 =	seq.s32 s10, $0x1;
	s10 =	sld [smem:$0x3FB8]  }
0x3d: {  	_ =	shalt  }
0x3e: {  	_ =	shalt  }
0x3f: {  	_ =	shalt  }
0x40: {  	_ =	shalt  }
0x41: {  	_ =	shalt  }
0x42: {  	_ =	shalt  }
0x43: {  	_ =	shalt  }
0x44: {  	_ =	shalt  }
0x45: {  	_ =	shalt  }
0x46: {  	_ =	shalt  }
0x47: {  	_ =	shalt  }
0x48: {  	_ =	shalt  }
0x49: {  	_ =	shalt  }
0x4a: {  	_ =	shalt  }
0x4b: {  	_ =	shalt  }
0x4c: {  	_ =	shalt  }
0x4d: {  	_ =	shalt  }
0x4e: {  	_ =	shalt  }
0x4f: {  	_ =	shalt  }
0x50: {  	_ =	shalt  }
0x51: {  	_ =	shalt  }
0x52: {  	_ =	shalt  }
0x53: {  	_ =	shalt  }
0x54: {  	_ =	shalt  }
0x55: {  	_ =	shalt  }
0x56: {  	_ =	shalt  }
0x57: {  	_ =	shalt  }
0x58: {  	_ =	shalt  }
0x59: {  	_ =	shalt  }
0x5a: {  	_ =	shalt  }
0x5b: {  	_ =	shalt  }
0x5c: {  	_ =	shalt  }
0x5d: {  	_ =	shalt  }
0x5e: {  	_ =	shalt  }
0x5f: {  	_ =	shalt  }
0x60: {  	_ =	shalt  }
0x61: {  	_ =	shalt  }
0x62: {  	_ =	shalt  }
0x63: {  	_ =	shalt  }
0x64: {  	_ =	shalt  }
0x65: {  	_ =	shalt  }
0x66: {  	_ =	shalt  }
0x67: {  	_ =	shalt  }
0x68: {  	_ =	shalt  }
0x69: {  	_ =	shalt  }
0x6a: {  	_ =	shalt  }
0x6b: {  	_ =	shalt  }
0x6c: {  	_ =	shalt  }
0x6d: {  	_ =	shalt  }
0x6e: {  	_ =	shalt  }
0x6f: {  	_ =	shalt  }
0x70: {  	_ =	shalt  }
0x71: {  	_ =	shalt  }
0x72: {  	_ =	shalt  }
0x73: {  	_ =	shalt  }
0x74: {  	_ =	shalt  }
0x75: {  	_ =	shalt  }
0x76: {  	_ =	shalt  }
0x77: {  	_ =	shalt  }
0x78: {  	_ =	shalt  }
0x79: {  	_ =	shalt  }
0x7a: {  	_ =	shalt  }
0x7b: {  	_ =	shalt  }
0x7c: {  	_ =	shalt  }
0x7d: {  	_ =	shalt  }
0x7e: {  	_ =	shalt  }
0x7f: {  	_ =	shalt  }
0x80: {  	_ =	shalt  }
0x81: {  	_ =	shalt  }
0x82: {  	_ =	shalt  }
0x83: {  	_ =	shalt  }
0x84: {  	_ =	shalt  }
0x85: {  	_ =	shalt  }
0x86: {  	_ =	shalt  }
0x87: {  	_ =	shalt  }
.Lfunc_end0:
.L_simem_size_0:
called_computation_lowered:
.L_overlay_start_0:
0x88: {  	s2 =	sld [smem:$0x3FD9]  }
0x89: {  	s3 =	sld [smem:$0x3FFE];
	_ =	sdelay $0x1  }
0x8a: {  	s1 =	srdreg.scid  }
0x8b: {  	s0 =	sand.u32 $0x1, s1  }
0x8c: {  	s17 =	sshll.u32 s0, $0xA;
	s2 =	sadd.s32 s3, s2  }
0x8d: {  	s2 =	sadd.s32 s2, s17  }
0x8e: {  	[smem:$0x3FC4] =	sst s2  }
0x8f: {  	_ = 	snop  }
0x90: {  	s2 =	sld [smem:$0x3FD0];
	(tm) =	ssettm $0x1  }
0x91: {  	s18 =	sld [smem:$0x3FFB];
	_ =	sdelay $0x3  }
0x92: {  	_ =	strace s18  }
0x93: {  	s3 =	sld [smem:$0x3FFC];
	_ =	sdelay $0x3  }
0x94: {  	_ =	strace s3  }
0x95: {  	s3 =	sld [smem:$0x3FFD];
	_ =	sdelay $0x3  }
0x96: {  	_ =	strace s3  }
0x97: {  	_ =	strace $0x8FFFFFFF  }
0x98: {  	s19 =	sld [smem:$0x3FDB];
	_ =	sdelay $0x1  }
0x99: {  	s4 =	simm.s32 $_scs_section_size  }
0x9a: {  	s5 =	simm.s32 $_size__tile_overlayer_lowered;
	s6 =	simm.s32 $_tile_overlayer_lowered  }
0x9b: {  	s22 =	simm.s32 $0x1BFF;
	s21 =	sshll.u32 s6, $0x1;
	s3 =	sadd.s32 s4, s19  }
0x9c: {  	s7 =	simm.s32 $0x0;
	s20 =	sshll.u32 s5, $0x1;
	s5 =	sadd.s32 s21, s3  }
0x9d: {  	[timem:s7], [sflag:s22] =	dma.local [hbm:s5], s20  }
0x9e: {  	_ =	swait.ge [sflag:s22], s20  }
0x9f: {  	s4 =	ssub.s32 $0x0, s20;
	[sflag:s22] =	ssyncset.done $0x0  }
0xa0: {  	[sflag:s22] =	ssyncadd.s32 s4;
	_ =	sdelay $0x1  }
0xa1: {  	s23 =	simm.s32 $0x1B8B  }
0xa2: {  	_ =	swait.ge [sflag:s23], $0x1  }
0xa3: {  	[sflag:s23] =	ssyncset.done $0x0  }
0xa4: {  	s25 =	simm.s32 $0x1B8E;
	s24 =	sld [smem:$0x3FFE];
	[sflag:s23] =	ssyncadd.s32 $0xFFFFFFFF  }
0xa5: {  	s26 =	simm.s32 $execute0_lowered;
	[smem:$0x3FD2] =	sst s25  }
0xa6: {  	s5 =	sshll.u32 s26, $0x1;
	_ =	strace $0x80000046;
	[dreg:$0x1] =	wrdreg $0xFFFFFFFF  }
0xa7: {  	s28 =	simm.s32 $_size_execute0_lowered;
	s3 =	sadd.s32 s3, s5;
	[dreg:$0x0] =	wrdreg $0x0  }
0xa8: {  	s5 =	sshll.u32 s28, $0x1;
	[dreg:$0x2] =	wrdreg s3  }
0xa9: {  	[dreg:$0x3] =	wrdreg s5  }
0xaa: {  	[dreg:$0x4] =	wrdreg $0xC0  }
0xab: {  	_ =	task [dreg:s7], $0x5FFFF  }
0xac: {  	[dreg:$0x1] =	wrdreg $0xFFFFFFFF  }
0xad: {  	[dreg:$0x0] =	wrdreg $0x60  }
0xae: {  	[dreg:$0x2] =	wrdreg s24  }
0xaf: {  	[dreg:$0x3] =	wrdreg s2  }
0xb0: {  	[dreg:$0x4] =	wrdreg $0x9  }
0xb1: {  	_ =	task.clear_ibuf [dreg:s7], $0x5FFFF;
	_ =	strace $0x90000046  }
0xb2: {  	s29 =	simm.s32 $0x9;
	_ =	strace $0x80000048  }
0xb3: {  	_ =	swait.ge [sflag:s29], $0x1  }
0xb4: {  	[sflag:s29] =	ssyncadd.s32 $0xFFFFFFFF  }
0xb5: {  	_ =	strace $0x90000048  }
0xb6: {  	_ =	sfence  }
0xb7: {  	s30 =	sld [smem:$0x0];
	_ =	sdelay $0x2  }
0xb8: {  	s31 =	sshll.u32 s1, $0xD;
	s1 =	sshrl.u32 s1, $0x2  }
0xb9: {  	s3 =	sand.u32 $0x4000, s31;
	s1 =	sadd.s32 s1, s30  }
0xba: {  	s0 =	sor.u32 s3, s0;
	s1 =	sshll.u32 s1, $0x11  }
0xbb: {  	s0 =	sor.u32 s1, s0  }
0xbc: {  	s0 =	sadd.s32 $0x8F2B, s0  }
0xbd: {  	[sflag:s0] =	ssyncadd.remote.s32 $0x1  }
0xbe: {  	_ =	sfence.sel $0xFFFF  }
0xbf: {  	[dreg:$0x0] =	wrdreg $0xFFFFFFFF;
	(pc) =	sbr.abs _section_cstart, $3  }
0xc0: {  	[dreg:$0x1] =	wrdreg $0xFFFFFFFF  }
0xc1: {  	_ =	task.clear_ibuf [dreg:s7], $0x2FFFF;
	_ =	strace $0x9FFFFFFF  }
0xc2: {  	(tm) =	ssettm $0x7FFFFFFF  }
0xc3: {  	_ =	shalt  }
tec
execute0_lowered:
.L_overlay_start_1:
0x0: {  	(tag) =	ssettag $0x1  }
0x1: {  	s4 =	rddreg [dreg:$0x0]  }
0x2: {  	s6 =	rddreg [dreg:$0x1]  }
0x3: {  	s0 =	rddreg [dreg:$0x2]  }
0x4: {  	s2 =	simm.s32 $0x0;
	s3 =	srdreg.scid;
	s1 =	stileid.u32  }
0x5: {  	s10 =	simm.s32 $0x3400;
	s11 =	simm.s32 $0x68;
	s12 =	simm.s32 $0x4080  }
0x6: {  	s13 =	simm.s32 $0x4D00;
	s14 =	simm.s32 $0x5980;
	s15 =	simm.s32 $0x1  }
0x7: {  	s16 =	simm.s32 $0x2;
	s17 =	simm.s32 $0x3;
	s18 =	simm.s32 $0x4  }
0x8: {  	s19 =	simm.s32 $0x6600;
	s20 =	simm.s32 $0x0;
	[smem:$0x7FF] =	sst s2  }
0x9: {  	s5 =	sand.u32 $0x1, s3;
	s3 =	sadd.s32 $0xA00, s4;
	s8 =	sshll.u32 s1, $0x1  }
0xa: {  	s4 =	sadd.s32 $0xF42E00, s4;
	s7 =	ssub.s32 $0x2, s5;
	s8 =	sor.u32 s5, s8  }
0xb: {  	s9 =	sshrl.u32 s7, $0x1;
	s5 =	smul.u32 $0x1A000, s8;
	s8 =	sshll.u32 s8, $0xB  }
0xc: {  	_ =	strace $0x80000047;
	s7 =	ssub.s32 s7, s9;
	s6 =	sadd.s32 s6, s8  }
0xd: {  	s8 =	simm.s32 $0x5;
	s9 =	simm.s32 $0x64;
	s7 =	smax.u32 s7, $0x1  }
.LBB2_1:
0xe: {  	s21 =	simm.s32 $0x0  }
.LBB2_2:
0xf: {  	s22 =	smul.u32 $0x3400, s21;
	_ =	sdelay $0x1  }
0x10: {  	s22 =	sadd.s32 s5, s22  }
0x11: {  	s22 =	sshrl.u32 s22, $0x3  }
0x12: {  	s23 =	sadd.s32 s3, s22;
	s22 =	simm.s32 $0x0  }
0x13: {  	[tilespmem:s22], [sflag:$0x5] =	stream.linear.gather [hbm4b:s23+s22], $0x3400, $0x38;
	[tilespmem:$0x6E00] =	vst v63  }
0x14: {  	_ =	swait.ge [sflag:s8], $0x3400  }
0x15: {  	[sflag:s8] =	ssyncset.done $0x0  }
0x16: {  	[sflag:s8] =	ssyncadd.s32 $0xFFFFCC00  }
0x17: {  	[tilespmem:s10], [sflag:$0x1] =	stream.indirect.gather [hbm4b:s4+s9], $0x20, s22, s9, $0xb8;
	[tilespmem:$0x6E00] =	vst v63  }
0x18: {  	_ = 	snop  }
0x19: {  	[tilespmem:s12], [sflag:$0x2] =	stream.indirect.gather [hbm4b:s4+s9], $0x20, s11, s9, $0xb8;
	[tilespmem:$0x6E00] =	vst v63  }
.LBB2_3:
0x1a: {  	s23 =	sshllo.u32 s22, $0x1  }
0x1b: {  	s24 =	smul.u32 $0x340, s23;
	_ =	sdelay $0x1  }
0x1c: {  	s24 =	sshra.s32 s24, $0x2  }
0x1d: {  	[tilespmem:s13], [sflag:$0x3] =	stream.indirect.gather [hbm4b:s4+s9], $0x20, s24, s9, $0xb8;
	[tilespmem:$0x6E00] =	vst v63  }
0x1e: {  	s24 =	sadd.s32 $0x68, s24  }
0x1f: {  	[tilespmem:s14], [sflag:$0x4] =	stream.indirect.gather [hbm4b:s4+s9], $0x20, s24, s9, $0xb8;
	[tilespmem:$0x6E00] =	vst v63  }
0x20: {  	_ =	swait.ge [sflag:s15], $0xC80  }
0x21: {  	[sflag:s15] =	ssyncset.done $0x0  }
0x22: {  	[sflag:s15] =	ssyncadd.s32 $0xFFFFF380  }
0x23: {  	_ =	swait.ge [sflag:s16], $0xC80  }
0x24: {  	[sflag:s16] =	ssyncset.done $0x0  }
0x25: {  	s25 =	simm.s32 $0x0;
	[sflag:s16] =	ssyncadd.s32 $0xFFFFF380  }
0x26: {  	v1 =	vld [tilespmem:s25+$0x4090]  }
0x27: {  	v3 =	vld [tilespmem:s25+$0x3400]  }
0x28: {  	v0 =	vimm.f32 $0.0e+00;
	v2 =	vld [tilespmem:s25+$0x3410]  }
0x29: {  	v5 =	vimm.f32 $0.0e+00;
	v4 =	vimm.f32 $0.0e+00;
	v7 =	vimm.f32 $0.0e+00;
	s24 =	simm.s32 $0x80;
	v6 =	vld [tilespmem:s25+$0x4080]  }
.LBB2_4:
0x2a: {  	p0 =	sne.s32 s24, $0x3180  }
.Ltmp0:
0x2b: {  	s25 =	sshra.s32 s24, $0x2;
	s24 =	sadd.s32 $0x80, s24;
	v0 =	vadd.f32 v1, v0;
	(pc) =	sbr.rel @p0 .LBB2_4-.Ltmp0, $4  }
0x2c: {  	v1 =	vld [tilespmem:s25+$0x4090];
	v5 =	vadd.f32 v3, v5  }
0x2d: {  	v3 =	vld [tilespmem:s25+$0x3400];
	v4 =	vadd.f32 v2, v4  }
0x2e: {  	v2 =	vld [tilespmem:s25+$0x3410];
	v7 =	vadd.f32 v6, v7  }
0x2f: {  	v6 =	vld [tilespmem:s25+$0x4080]  }
0x30: {  	_ =	sdelay $0x2  }
0x31: {  	v0 =	vadd.f32 v1, v0;
	v1 =	vadd.f32 v2, v4  }
0x32: {  	v3 =	vadd.f32 v3, v5;
	v5 =	vadd.f32 v6, v7  }
0x33: {  	v0 =	vadd.f32 v0, v1  }
0x34: {  	p0 =	seq.s32 s22, $0x1F;
	v2 =	vadd.f32 v5, v3  }
0x35: {  	s24 =	sshll.u32 s22, $0x6;
	s25 =	smul.u32 @!p0 $0x680, s22;
	v0 =	vmul.f32 $4.999999890e-03, v0  }
0x36: {  	s24 =	sand.u32 $0x3FFFFFC0, s24;
	v1 =	vmul.f32 $4.999999890e-03, v2  }
0x37: {  	s25 =	sshra.s32 @!p0 s25, $0x2;
	[tilespmem:s24+$0x6610] =	vst v0  }
0x38: {  	s26 =	simm.s32 @!p0 $0x64;
	s28 =	simm.s32 @!p0 $0x3400;
	[tilespmem:s24+$0x6600] =	vst v1;
	s24 =	sadd.s32 @!p0 $0x1A0, s25  }
0x39: {  	[tilespmem:s28], [sflag:$0x1] =	stream.indirect.gather @!p0 [hbm4b:s4+s26], $0x20, s24, s26, $0xb8;
	[tilespmem:$0x6E00] =	vst v63  }
0x3a: {  	s24 =	sadd.s32 @!p0 $0x208, s25;
	s25 =	simm.s32 @!p0 $0x4080  }
0x3b: {  	[tilespmem:s25], [sflag:$0x2] =	stream.indirect.gather @!p0 [hbm4b:s4+s26], $0x20, s24, s26, $0xb8;
	[tilespmem:$0x6E00] =	vst v63  }
0x3c: {  	_ =	swait.ge [sflag:s17], $0xC80  }
0x3d: {  	[sflag:s17] =	ssyncset.done $0x0  }
0x3e: {  	[sflag:s17] =	ssyncadd.s32 $0xFFFFF380  }
0x3f: {  	_ =	swait.ge [sflag:s18], $0xC80  }
0x40: {  	[sflag:s18] =	ssyncset.done $0x0  }
0x41: {  	s31 =	simm.s32 $0x0;
	[sflag:s18] =	ssyncadd.s32 $0xFFFFF380  }
0x42: {  	v1 =	vld [tilespmem:s31+$0x5990]  }
0x43: {  	v3 =	vld [tilespmem:s31+$0x4D00]  }
0x44: {  	v4 =	vimm.f32 $0.0e+00;
	v2 =	vld [tilespmem:s31+$0x4D10]  }
0x45: {  	v7 =	vimm.f32 $0.0e+00;
	v5 =	vimm.f32 $0.0e+00;
	v0 =	vimm.f32 $0.0e+00;
	s24 =	simm.s32 $0x80;
	v6 =	vld [tilespmem:s31+$0x5980]  }
.LBB2_6:
0x46: {  	p0 =	sne.s32 s24, $0x3180  }
.Ltmp1:
0x47: {  	s25 =	sshra.s32 s24, $0x2;
	s24 =	sadd.s32 $0x80, s24;
	v0 =	vadd.f32 v1, v0;
	(pc) =	sbr.rel @p0 .LBB2_6-.Ltmp1, $4  }
0x48: {  	v1 =	vld [tilespmem:s25+$0x5990];
	v5 =	vadd.f32 v3, v5  }
0x49: {  	v3 =	vld [tilespmem:s25+$0x4D00];
	v4 =	vadd.f32 v2, v4  }
0x4a: {  	v2 =	vld [tilespmem:s25+$0x4D10];
	v7 =	vadd.f32 v6, v7  }
0x4b: {  	v6 =	vld [tilespmem:s25+$0x5980]  }
0x4c: {  	_ =	sdelay $0x2  }
0x4d: {  	v0 =	vadd.f32 v1, v0;
	v61 =	vadd.f32 v2, v4  }
0x4e: {  	s22 =	sadd.s32 $0x1, s22;
	v3 =	vadd.f32 v3, v5;
	v60 =	vadd.f32 v6, v7  }
0x4f: {  	p0 =	sne.s32 s22, $0x20;
	v0 =	vadd.f32 v0, v61  }
.Ltmp2:
0x50: {  	v62 =	vadd.f32 v60, v3;
	(pc) =	sbr.rel @p0 .LBB2_3-.Ltmp2, $4  }
0x51: {  	s23 =	sshll.u32 s23, $0x5;
	v0 =	vmul.f32 $4.999999890e-03, v0  }
0x52: {  	s23 =	sand.u32 $0x3FFFFFE0, s23;
	v63 =	vmul.f32 $4.999999890e-03, v62  }
0x53: {  	[tilespmem:s23+$0x6610] =	vst v0  }
0x54: {  	[tilespmem:s23+$0x6600] =	vst v63  }
0x55: {  	s22 =	sshll.u32 s21, $0x8;
	s21 =	sadd.s32 $0x1, s21  }
0x56: {  	p0 =	sne.s32 s21, $0x8  }
.Ltmp3:
0x57: {  	s22 =	sadd.s32 s22, s6;
	(pc) =	sbr.rel @p0 .LBB2_2-.Ltmp3, $4  }
0x58: {  	[hbm4b:s22+s2] =	stream.linear.scatter [tilespmem:s19], [sflag:$0x5], $0x800, $0x38;
	[tilespmem:$0x6E00] =	vst v63  }
0x59: {  	_ =	swait.ge [sflag:s8], $0x800  }
0x5a: {  	[sflag:s8] =	ssyncset.done $0x0  }
0x5b: {  	[sflag:s8] =	ssyncadd.s32 $0xFFFFF800  }
0x5c: {  	s20 =	sadd.s32 $0x1, s20  }
0x5d: {  	p0 =	sne.s32 s20, s7  }
.Ltmp4:
0x5e: {  	_ = 	snop;
	(pc) =	sbr.rel @p0 .LBB2_1-.Ltmp4, $1  }
0x5f: {  	_ =	sdelay $0x3  }
0x60: {  	_ =	sfence.sel $0x180000  }
0x61: {  	[bflag:$0x0] =	sbarrier.arrive $0xFFFF  }
0x62: {  	p0 =	sne.s32 s1, $0x0;
	_ =	strace $0x90000047  }
0x63: {  	s0 =	sadd.s32 @!p0 $0x100000, s0;
	[bflag:$0x2] =	sbarrier.arrive $0xFFFF  }
0x64: {  	[sflag:s0] =	ssyncadd.tile.s32 @!p0 $0x1;
	_ =	shalt  }
.Lfunc_end2:
_tile_overlayer_lowered:
.L_overlay_start_2:
0x65: {  	(tag) =	ssettag $0x2  }
0x66: {  	s0 =	rddreg [dreg:$0x0];
	s2 =	stileid.u32  }
0x67: {  	s1 =	rddreg [dreg:$0x1];
	p0 =	sne.s32 s2, $0x0  }
0x68: {  	s3 =	rddreg [dreg:$0x2];
	[bflag:$0x3] =	sbarrier.arrive $0xFFFF;
	s2 =	simm.s32 @!p0 $0x1C05  }
0x69: {  	[timem:s3], [sflag:s2] =	dma.local @!p0 [hbm:s0], s1  }
0x6a: {  	s0 =	simm.s32 @!p0 $0x5  }
0x6b: {  	_ =	swait.ge @!p0 [sflag:s0], s1  }
0x6c: {  	s1 =	ssub.s32 @!p0 $0x0, s1;
	[sflag:s0] =	ssyncset.done @!p0 $0x0  }
0x6d: {  	[sflag:s0] =	ssyncadd.s32 @!p0 s1  }
0x6e: {  	[bflag:$0x3] =	sbarrier.arrive $0xFFFF  }
0x6f: {  	_ =	shalt  }

</sc_bundles>
